<compile_context>
chip_gen: v7x
topology: tpu7x:2x2x1
jax: 0.10.2.dev20260603
libtpu: 0.0.44.dev20260713+nightly
codegen_flags: <defaults>
</compile_context>

<pallas_src>
import functools
import math

import jax
import jax.numpy as jnp
import numpy as np
from jax import lax
from jax.experimental import pallas as pl
from jax.experimental.pallas import tpu as pltpu
from jax.experimental.pallas import tpu_sc as plsc

_N_EMBED = 8192
_EMBED_DIM = 256
_Z_CH = 256
_B = 2
_HW = 1024
_KL_WEIGHT = 1e-08
_NT = 2048
_N_TILES = _N_EMBED // _NT
_LOG_N = math.log(float(_N_EMBED))

_SC_CORES = 2
_SC_SUBCORES = 16
_NW = _SC_CORES * _SC_SUBCORES
_ROWS_PER_W = (_B * _HW) // _NW


def _np_threefry2x32(k0, k1, x0, x1):
    rot = ((13, 15, 26, 6), (17, 29, 16, 24))
    ks = (np.uint32(k0), np.uint32(k1), np.uint32(k0 ^ k1 ^ 0x1BD11BDA))
    x0 = (x0 + ks[0]).astype(np.uint32)
    x1 = (x1 + ks[1]).astype(np.uint32)
    for i in range(5):
        for r in rot[i % 2]:
            x0 = (x0 + x1).astype(np.uint32)
            x1 = ((x1 << np.uint32(r)) | (x1 >> np.uint32(32 - r))).astype(np.uint32)
            x1 = x1 ^ x0
        x0 = (x0 + ks[(i + 1) % 3]).astype(np.uint32)
        x1 = (x1 + ks[(i + 2) % 3] + np.uint32(i + 1)).astype(np.uint32)
    return x0, x1


def _np_uniform_bits(seed, n):
    x0 = np.zeros(n, dtype=np.uint32)
    x1 = np.arange(n, dtype=np.uint32)
    o0, o1 = _np_threefry2x32(np.uint32(seed >> 32), np.uint32(seed & 0xFFFFFFFF),
                              x0, x1)
    return o0 ^ o1


@functools.lru_cache(maxsize=1)
def _gumbel_const():
    bits = _np_uniform_bits(42, _B * _N_EMBED * _HW)
    f = ((bits >> np.uint32(9)) | np.uint32(0x3F800000)).view(np.float32)
    f = f - np.float32(1.0)
    u = np.maximum(np.float32(1e-9), f * np.float32(1.0 - 1e-9) + np.float32(1e-9))
    g = -np.log(-np.log(u))
    return g.reshape(_B, _N_EMBED, _HW).astype(np.float32)


def _fused_body(z_ref, w_ref, bias_ref, g_ref, ind_ref, diff_ref,
                s_s, w_s, bv_s, bi_s, acc_s, iota_s):
    b = pl.program_id(0)
    nt = pl.program_id(1)

    @pl.when(jnp.logical_and(b == 0, nt == 0))
    def _():
        iota_s[...] = lax.broadcasted_iota(
            jnp.int32, (_NT, _HW), 0).astype(jnp.float32)
        acc_s[...] = jnp.zeros_like(acc_s)

    logits = lax.dot_general(w_ref[...], z_ref[0],
                             (((1,), (1,)), ((), ())),
                             preferred_element_type=jnp.float32)
    logits = logits + bias_ref[...]
    v = logits + g_ref[0]

    e = jnp.exp(logits)
    tile_s = jnp.sum(e, axis=0, keepdims=True)
    tile_w = jnp.sum(logits * e, axis=0, keepdims=True)

    tile_bv = jnp.max(v, axis=0, keepdims=True)
    tile_bi = jnp.min(jnp.where(v == tile_bv, iota_s[...], float(_N_EMBED)),
                      axis=0, keepdims=True)
    tile_bi = tile_bi + (nt * _NT).astype(jnp.float32)

    @pl.when(nt == 0)
    def _():
        s_s[...] = tile_s
        w_s[...] = tile_w
        bv_s[...] = tile_bv
        bi_s[...] = tile_bi

    @pl.when(nt != 0)
    def _():
        s_s[...] = s_s[...] + tile_s
        w_s[...] = w_s[...] + tile_w
        upd = tile_bv > bv_s[...]
        bv_s[...] = jnp.where(upd, tile_bv, bv_s[...])
        bi_s[...] = jnp.where(upd, tile_bi, bi_s[...])

    @pl.when(nt == _N_TILES - 1)
    def _():
        ind_ref[0] = bi_s[...].astype(jnp.int32)
        kl = w_s[...] / s_s[...] - jnp.log(s_s[...]) + _LOG_N
        acc_s[...] = acc_s[...] + jnp.sum(kl, axis=1, keepdims=True)

    @pl.when(jnp.logical_and(b == _B - 1, nt == _N_TILES - 1))
    def _():
        diff_ref[...] = acc_s[...] * (_KL_WEIGHT / float(_B * _HW))


def _tc_fused(zt, W_proj, b_proj, g):
    ind3, diff = pl.pallas_call(
        _fused_body,
        grid=(_B, _N_TILES),
        in_specs=[
            pl.BlockSpec((1, _HW, _Z_CH), lambda b, nt: (b, 0, 0)),
            pl.BlockSpec((_NT, _Z_CH), lambda b, nt: (nt, 0)),
            pl.BlockSpec((_NT, 1), lambda b, nt: (nt, 0)),
            pl.BlockSpec((1, _NT, _HW), lambda b, nt: (b, nt, 0)),
        ],
        out_specs=[
            pl.BlockSpec((1, 1, _HW), lambda b, nt: (b, 0, 0)),
            pl.BlockSpec((1, 1), lambda b, nt: (0, 0)),
        ],
        out_shape=[
            jax.ShapeDtypeStruct((_B, 1, _HW), jnp.int32),
            jax.ShapeDtypeStruct((1, 1), jnp.float32),
        ],
        scratch_shapes=[
            pltpu.VMEM((1, _HW), jnp.float32),
            pltpu.VMEM((1, _HW), jnp.float32),
            pltpu.VMEM((1, _HW), jnp.float32),
            pltpu.VMEM((1, _HW), jnp.float32),
            pltpu.VMEM((1, 1), jnp.float32),
            pltpu.VMEM((_NT, _HW), jnp.float32),
        ],
        compiler_params=pltpu.CompilerParams(
            dimension_semantics=("arbitrary", "arbitrary")),
    )(zt, W_proj, b_proj.reshape(_N_EMBED, 1), g)
    return ind3, diff


def _gather_body(table_hbm, idx_hbm, out_hbm, idx_v, rows_v, sem):
    wid = lax.axis_index("s") * _SC_CORES + lax.axis_index("c")
    base = wid * _ROWS_PER_W
    pltpu.sync_copy(idx_hbm.at[pl.ds(base, _ROWS_PER_W)], idx_v)
    pltpu.async_copy(table_hbm.at[idx_v], rows_v, sem).wait()
    pltpu.sync_copy(rows_v, out_hbm.at[pl.ds(base, _ROWS_PER_W)])


def _sc_gather(embed, idx_flat):
    mesh = plsc.VectorSubcoreMesh(core_axis_name="c", subcore_axis_name="s")
    k = functools.partial(
        pl.kernel,
        mesh=mesh,
        out_type=jax.ShapeDtypeStruct((_B * _HW, _EMBED_DIM), jnp.float32),
        scratch_types=[
            pltpu.VMEM((_ROWS_PER_W,), jnp.int32),
            pltpu.VMEM((_ROWS_PER_W, _EMBED_DIM), jnp.float32),
            pltpu.SemaphoreType.DMA,
        ],
    )(_gather_body)
    return k(embed, idx_flat)


def kernel(z, W_proj, b_proj, embed):
    zt = z.reshape(_B, _Z_CH, _HW).transpose(0, 2, 1)
    g = _gumbel_const()
    ind3, diff2 = _tc_fused(zt, W_proj, b_proj, g)
    ind_flat = ind3.reshape(_B * _HW)
    rows = _sc_gather(embed, ind_flat)
    z_q = rows.reshape(_B, _HW, _EMBED_DIM).transpose(0, 2, 1)
    z_q = z_q.reshape(_B, _EMBED_DIM, 32, 32)
    ind = ind3.reshape(_B, 32, 32)
    diff = diff2[0, 0]
    return z_q, diff, ind

# --- scband reference (transcript-rebuilt; emitter-appended) ---
"""Pipeline reference for scband-gumbel-vq-44538810859803 (READ-ONLY COPY).

The authoritative reference and input builder live on the scoring server;
editing this copy changes nothing except your own understanding.
"""

import jax, jax.numpy as jnp
import numpy as np

N_EMBED = 8192
EMBED_DIM = 256
Z_CHANNELS = 256
KL_WEIGHT = 1e-08
TEMP = 1.0


def setup_inputs(seed: int = 0) -> dict:
    key = jax.random.key(seed)
    k1, k2, k3 = jax.random.split(key, 3)
    z = jax.random.normal(k1, (2, Z_CHANNELS, 32, 32), dtype=jnp.float32)
    # proj: 1x1 Conv2d(z_channels -> n_embed) == matmul over channel dim
    W_proj = jax.random.normal(k2, (N_EMBED, Z_CHANNELS), dtype=jnp.float32) * 0.02
    b_proj = jnp.zeros((N_EMBED,), dtype=jnp.float32)
    # nn.Embedding(n_embed, embed_dim)
    embed = jax.random.normal(k3, (N_EMBED, EMBED_DIM), dtype=jnp.float32) * 0.02
    return {"z": z, "W_proj": W_proj, "b_proj": b_proj, "embed": embed}


def _gumbel_noise(shape):
    # deterministic gumbel noise (stands in for torch's F.gumbel_softmax sampling)
    u = jax.random.uniform(jax.random.key(42), shape, dtype=jnp.float32,
                           minval=1e-9, maxval=1.0)
    return -jnp.log(-jnp.log(u))


def reference(z, W_proj, b_proj, embed):
    # GumbelQuantize.forward (taming-transformers):
    #   logits = proj(z); soft_one_hot = gumbel_softmax(logits, tau, hard=True)
    #   z_q = einsum('b n h w, n d -> b d h w', soft_one_hot, embed.weight)
    #   diff = kl_weight * sum(qy * log(qy * n_embed + 1e-10), dim=1).mean()
    logits = jnp.einsum('bchw,nc->bnhw', z, W_proj) + b_proj[None, :, None, None]
    g = _gumbel_noise(logits.shape)
    y_soft = jax.nn.softmax((logits + g) / TEMP, axis=1)
    ind = jnp.argmax(y_soft, axis=1)
    y_hard = jax.nn.one_hot(ind, N_EMBED, axis=1, dtype=y_soft.dtype)
    # straight-through hard one-hot
    soft_one_hot = y_hard - jax.lax.stop_gradient(y_soft) + y_soft
    z_q = jnp.einsum('bnhw,nd->bdhw', soft_one_hot, embed)
    qy = jax.nn.softmax(logits, axis=1)
    diff = KL_WEIGHT * jnp.mean(jnp.sum(qy * jnp.log(qy * N_EMBED + 1e-10), axis=1))
    return z_q, diff, ind

if __name__ == "__main__":
    import jax
    _d = setup_inputs()
    print(jax.jit(kernel)(*tuple(_d.values())))

</pallas_src>

<mosaic_0001>
#map = affine_map<(d0, d1) -> (0, 0)>
#map1 = affine_map<(d0, d1) -> (0)>
module attributes {stable_mosaic.version = 14 : i64} {
  func.func @_gather_body(%arg0: i32, %arg1: i32, %arg2: memref<8192x256xf32, #tpu.memory_space<hbm>>, %arg3: memref<2048xi32, #tpu.memory_space<hbm>>, %arg4: memref<2048x256xf32, #tpu.memory_space<hbm>>, %arg5: memref<64xi32, #tpu.memory_space<vmem>>, %arg6: memref<64x256xf32, #tpu.memory_space<vmem>>, %arg7: memref<!tpu.dma_semaphore, #tpu.memory_space<semaphore_mem>>) attributes {dimension_semantics = [#tpu.dimension_semantics<core_parallel>, #tpu.dimension_semantics<subcore_parallel>], iteration_bounds = array<i64: 2, 16>, scalar_prefetch = 0 : i64, scratch_operands = 3 : i64, tpu.core_type = #tpu.core_type<sc_vector_subcore>, window_params = [{transform_indices = #map}, {transform_indices = #map1}, {transform_indices = #map}]} {
    %mul3A = arith.constant 2 : i32
    %mul3A_0 = arith.muli %arg1, %mul3A : i32
    %add3A = arith.addi %mul3A_0, %arg0 : i32
    %mul3A_1 = arith.constant 64 : i32
    %mul3A_2 = arith.muli %add3A, %mul3A_1 : i32
    "tpu.region"() ({
      %run_scoped3A = tpu.sem_alloc : memref<!tpu.dma_semaphore, #tpu.memory_space<semaphore_mem>>
      %dma_start3A_7 = tpu.memref_slice %arg3[%mul3A_2] : memref<2048xi32, #tpu.memory_space<hbm>> -> memref<64xi32, #tpu.memory_space<hbm>>
      %dma_start3A_8 = tpu.memref_slice %arg3[%mul3A_2] : memref<2048xi32, #tpu.memory_space<hbm>> -> memref<64xi32, #tpu.memory_space<hbm>>
      tpu.enqueue_dma source(%dma_start3A_8 : memref<64xi32, #tpu.memory_space<hbm>>) target(%arg5 : memref<64xi32, #tpu.memory_space<vmem>>) target_semaphore(%run_scoped3A : memref<!tpu.dma_semaphore, #tpu.memory_space<semaphore_mem>>)
      %dma_wait3A_9 = tpu.memref_slice %arg3[%mul3A_2] : memref<2048xi32, #tpu.memory_space<hbm>> -> memref<64xi32, #tpu.memory_space<hbm>>
      %dma_wait3A_10 = tpu.memref_slice %arg3[%mul3A_2] : memref<2048xi32, #tpu.memory_space<hbm>> -> memref<64xi32, #tpu.memory_space<hbm>>
      tpu.wait_dma2 semaphore(%run_scoped3A : memref<!tpu.dma_semaphore, #tpu.memory_space<semaphore_mem>>) src(%dma_wait3A_10 : memref<64xi32, #tpu.memory_space<hbm>>) dst(%arg5 : memref<64xi32, #tpu.memory_space<vmem>>)
      tpu.yield
    }) : () -> ()
    %dma_start3A = arith.constant 0 : i32
    %dma_start3A_3 = arith.constant 0 : i32
    %dma_start3A_4 = tpu.memref_slice %arg2[%dma_start3A, %dma_start3A_3] : memref<8192x256xf32, #tpu.memory_space<hbm>> -> memref<8192x256xf32, #tpu.memory_space<hbm>>
    tpu.enqueue_indirect_dma source(%dma_start3A_4 : memref<8192x256xf32, #tpu.memory_space<hbm>>) target(%arg6 : memref<64x256xf32, #tpu.memory_space<vmem>>) offsets(%arg5 : memref<64xi32, #tpu.memory_space<vmem>>) semaphore(%arg7 : memref<!tpu.dma_semaphore, #tpu.memory_space<semaphore_mem>>)
    %dma_wait3A = arith.constant 0 : i32
    %dma_wait3A_5 = arith.constant 0 : i32
    %dma_wait3A_6 = tpu.memref_slice %arg2[%dma_wait3A, %dma_wait3A_5] : memref<8192x256xf32, #tpu.memory_space<hbm>> -> memref<8192x256xf32, #tpu.memory_space<hbm>>
    tpu.wait_indirect_dma semaphore(%arg7 : memref<!tpu.dma_semaphore, #tpu.memory_space<semaphore_mem>>) src(%dma_wait3A_6 : memref<8192x256xf32, #tpu.memory_space<hbm>>) dst(%arg6 : memref<64x256xf32, #tpu.memory_space<vmem>>)
    "tpu.region"() ({
      %run_scoped3A = tpu.sem_alloc : memref<!tpu.dma_semaphore, #tpu.memory_space<semaphore_mem>>
      %dma_start3A_7 = arith.constant 0 : i32
      %dma_start3A_8 = tpu.memref_slice %arg4[%mul3A_2, %dma_start3A_7] : memref<2048x256xf32, #tpu.memory_space<hbm>> -> memref<64x256xf32, #tpu.memory_space<hbm>>
      %dma_start3A_9 = arith.constant 0 : i32
      %dma_start3A_10 = tpu.memref_slice %arg4[%mul3A_2, %dma_start3A_9] : memref<2048x256xf32, #tpu.memory_space<hbm>> -> memref<64x256xf32, #tpu.memory_space<hbm>>
      tpu.enqueue_dma source(%arg6 : memref<64x256xf32, #tpu.memory_space<vmem>>) target(%dma_start3A_10 : memref<64x256xf32, #tpu.memory_space<hbm>>) target_semaphore(%run_scoped3A : memref<!tpu.dma_semaphore, #tpu.memory_space<semaphore_mem>>)
      %dma_wait3A_11 = arith.constant 0 : i32
      %dma_wait3A_12 = tpu.memref_slice %arg4[%mul3A_2, %dma_wait3A_11] : memref<2048x256xf32, #tpu.memory_space<hbm>> -> memref<64x256xf32, #tpu.memory_space<hbm>>
      %dma_wait3A_13 = arith.constant 0 : i32
      %dma_wait3A_14 = tpu.memref_slice %arg4[%mul3A_2, %dma_wait3A_13] : memref<2048x256xf32, #tpu.memory_space<hbm>> -> memref<64x256xf32, #tpu.memory_space<hbm>>
      tpu.wait_dma2 semaphore(%run_scoped3A : memref<!tpu.dma_semaphore, #tpu.memory_space<semaphore_mem>>) src(%arg6 : memref<64x256xf32, #tpu.memory_space<vmem>>) dst(%dma_wait3A_14 : memref<64x256xf32, #tpu.memory_space<hbm>>)
      tpu.yield
    }) : () -> ()
    return
  }
}

module attributes {stable_mosaic.version = 14 : i64} {
  func.func @_fused_body(%arg0: i32, %arg1: i32, %arg2: memref<1x1024x256xf32, #tpu.memory_space<vmem>>, %arg3: memref<2048x256xf32, #tpu.memory_space<vmem>>, %arg4: memref<2048x1xf32, #tpu.memory_space<vmem>>, %arg5: memref<1x2048x1024xf32, #tpu.memory_space<vmem>>, %arg6: memref<1x1x1024xi32, #tpu.memory_space<vmem>>, %arg7: memref<1x1xf32, #tpu.memory_space<vmem>>, %arg8: memref<1x1024xf32, #tpu.memory_space<vmem>>, %arg9: memref<1x1024xf32, #tpu.memory_space<vmem>>, %arg10: memref<1x1024xf32, #tpu.memory_space<vmem>>, %arg11: memref<1x1024xf32, #tpu.memory_space<vmem>>, %arg12: memref<1x1xf32, #tpu.memory_space<vmem>>, %arg13: memref<2048x1024xf32, #tpu.memory_space<vmem>>) attributes {dimension_semantics = [#tpu.dimension_semantics<arbitrary>, #tpu.dimension_semantics<arbitrary>], iteration_bounds = array<i64: 2, 4>, scalar_prefetch = 0 : i64, scratch_operands = 6 : i64, tpu.core_type = #tpu.core_type<tc>, window_params = [{transform_indices = @transform_0, window_bounds = array<i64: 1, 1024, 256>}, {transform_indices = @transform_1, window_bounds = array<i64: 2048, 256>}, {transform_indices = @transform_2, window_bounds = array<i64: 2048, 1>}, {transform_indices = @transform_3, window_bounds = array<i64: 1, 2048, 1024>}, {transform_indices = @transform_4, window_bounds = array<i64: 1, 1, 1024>}, {pipeline_mode = #tpu.pipeline_mode<synchronous>, transform_indices = @transform_5, window_bounds = array<i64: 1, 1>}]} {
    %eq3A = arith.constant 0 : i32
    %eq3A_0 = arith.cmpi eq, %arg0, %eq3A : i32
    %eq3A_1 = arith.constant 0 : i32
    %eq3A_2 = arith.cmpi eq, %arg1, %eq3A_1 : i32
    %and3A = arith.andi %eq3A_0, %eq3A_2 : i1
    %convert_element_type3A = arith.extui %and3A : i1 to i32
    %cond3A = arith.constant 0 : i32
    %cond3A_3 = arith.cmpi ne, %convert_element_type3A, %cond3A : i32
    scf.if %cond3A_3 {
      %iota3A = tpu.iota {dimensions = array<i32: 0>} : vector<2048x1024xi32>
      %convert_element_type3A_63 = arith.sitofp %iota3A : vector<2048x1024xi32> to vector<2048x1024xf32>
      %swap3A = arith.constant 0 : index
      %swap3A_64 = arith.constant 0 : index
      %swap3A_65 = vector.load %arg13[%swap3A, %swap3A_64] : memref<2048x1024xf32, #tpu.memory_space<vmem>>, vector<2048x1024xf32>
      tpu.vector_store %arg13[%swap3A, %swap3A_64], %convert_element_type3A_63 {strides = array<i32>} : memref<2048x1024xf32, #tpu.memory_space<vmem>>, vector<2048x1024xf32>,
      %broadcast_in_dim3A_66 = arith.constant 0.000000e+00 : f32
      %broadcast_in_dim3A_67 = vector.broadcast %broadcast_in_dim3A_66 : f32 to vector<1x1xf32>
      %swap3A_68 = arith.constant 0 : index
      %swap3A_69 = arith.constant 0 : index
      %swap3A_70 = vector.load %arg12[%swap3A_68, %swap3A_69] : memref<1x1xf32, #tpu.memory_space<vmem>>, vector<1x1xf32>
      tpu.vector_store %arg12[%swap3A_68, %swap3A_69], %broadcast_in_dim3A_67 {strides = array<i32>} : memref<1x1xf32, #tpu.memory_space<vmem>>, vector<1x1xf32>,
    } else {
    }
    %get3A = arith.constant 0 : index
    %get3A_4 = arith.constant 0 : index
    %get3A_5 = vector.load %arg3[%get3A, %get3A_4] : memref<2048x256xf32, #tpu.memory_space<vmem>>, vector<2048x256xf32>
    %get3A_6 = arith.constant 0 : index
    %get3A_7 = arith.constant 0 : index
    %get3A_8 = arith.constant 0 : index
    %get3A_9 = vector.load %arg2[%get3A_6, %get3A_7, %get3A_8] : memref<1x1024x256xf32, #tpu.memory_space<vmem>>, vector<1x1024x256xf32>
    %get3A_10 = vector.shape_cast %get3A_9 : vector<1x1024x256xf32> to vector<1024x256xf32>
    %dot_general3A = arith.constant dense<0.000000e+00> : vector<2048x1024xf32>
    %dot_general3A_11 = tpu.matmul %get3A_5, %get3A_10, %dot_general3A {dimension_numbers = #tpu.dot_dimension_numbers<[1], [1], [0], [0], [0, 0, 1, 0], [], []>, transpose_lhs_hint = false} : vector<2048x256xf32>, vector<1024x256xf32>, vector<2048x1024xf32> -> vector<2048x1024xf32>
    %get3A_12 = arith.constant 0 : index
    %get3A_13 = arith.constant 0 : index
    %get3A_14 = vector.load %arg4[%get3A_12, %get3A_13] : memref<2048x1xf32, #tpu.memory_space<vmem>>, vector<2048x1xf32>
    %add3A = vector.broadcast %get3A_14 : vector<2048x1xf32> to vector<2048x1024xf32>
    %add3A_15 = arith.addf %dot_general3A_11, %add3A : vector<2048x1024xf32>
    %get3A_16 = arith.constant 0 : index
    %get3A_17 = arith.constant 0 : index
    %get3A_18 = arith.constant 0 : index
    %get3A_19 = vector.load %arg5[%get3A_16, %get3A_17, %get3A_18] : memref<1x2048x1024xf32, #tpu.memory_space<vmem>>, vector<1x2048x1024xf32>
    %get3A_20 = vector.shape_cast %get3A_19 : vector<1x2048x1024xf32> to vector<2048x1024xf32>
    %add3A_21 = arith.addf %add3A_15, %get3A_20 : vector<2048x1024xf32>
    %exp3A = math.exp %add3A_15 : vector<2048x1024xf32>
    %reduce_sum3A = arith.constant dense<0.000000e+00> : vector<1024xf32>
    %reduce_sum3A_22 = vector.multi_reduction <add>, %exp3A, %reduce_sum3A [0] : vector<2048x1024xf32> to vector<1024xf32>
    %broadcast_in_dim3A = vector.shape_cast %reduce_sum3A_22 : vector<1024xf32> to vector<1x1024xf32>
    %mul3A = arith.mulf %add3A_15, %exp3A : vector<2048x1024xf32>
    %reduce_sum3A_23 = arith.constant dense<0.000000e+00> : vector<1024xf32>
    %reduce_sum3A_24 = vector.multi_reduction <add>, %mul3A, %reduce_sum3A_23 [0] : vector<2048x1024xf32> to vector<1024xf32>
    %broadcast_in_dim3A_25 = vector.shape_cast %reduce_sum3A_24 : vector<1024xf32> to vector<1x1024xf32>
    %reduce_max3A = arith.constant dense<0xFF800000> : vector<1024xf32>
    %reduce_max3A_26 = vector.multi_reduction <maximumf>, %add3A_21, %reduce_max3A [0] : vector<2048x1024xf32> to vector<1024xf32>
    %broadcast_in_dim3A_27 = vector.shape_cast %reduce_max3A_26 : vector<1024xf32> to vector<1x1024xf32>
    %eq3A_28 = vector.broadcast %broadcast_in_dim3A_27 : vector<1x1024xf32> to vector<2048x1024xf32>
    %eq3A_29 = arith.cmpf oeq, %add3A_21, %eq3A_28 : vector<2048x1024xf32>
    %get3A_30 = arith.constant 0 : index
    %get3A_31 = arith.constant 0 : index
    %get3A_32 = vector.load %arg13[%get3A_30, %get3A_31] : memref<2048x1024xf32, #tpu.memory_space<vmem>>, vector<2048x1024xf32>
    %jit3A = arith.constant 8.192000e+03 : f32
    %broadcast_in_dim3A_33 = vector.broadcast %jit3A : f32 to vector<2048x1024xf32>
    %select_n3A = arith.select %eq3A_29, %get3A_32, %broadcast_in_dim3A_33 : vector<2048x1024xi1>, vector<2048x1024xf32>
    %reduce_min3A = arith.constant dense<0x7F800000> : vector<1024xf32>
    %reduce_min3A_34 = vector.multi_reduction <minimumf>, %select_n3A, %reduce_min3A [0] : vector<2048x1024xf32> to vector<1024xf32>
    %broadcast_in_dim3A_35 = vector.shape_cast %reduce_min3A_34 : vector<1024xf32> to vector<1x1024xf32>
    %mul3A_36 = arith.constant 2048 : i32
    %mul3A_37 = arith.muli %arg1, %mul3A_36 : i32
    %convert_element_type3A_38 = arith.sitofp %mul3A_37 : i32 to f32
    %add3A_39 = vector.broadcast %convert_element_type3A_38 : f32 to vector<1x1024xf32>
    %add3A_40 = arith.addf %broadcast_in_dim3A_35, %add3A_39 : vector<1x1024xf32>
    %eq3A_41 = arith.constant 0 : i32
    %eq3A_42 = arith.cmpi eq, %arg1, %eq3A_41 : i32
    %convert_element_type3A_43 = arith.extui %eq3A_42 : i1 to i32
    %cond3A_44 = arith.constant 0 : i32
    %cond3A_45 = arith.cmpi ne, %convert_element_type3A_43, %cond3A_44 : i32
    scf.if %cond3A_45 {
      %swap3A = arith.constant 0 : index
      %swap3A_63 = arith.constant 0 : index
      %swap3A_64 = vector.load %arg8[%swap3A, %swap3A_63] : memref<1x1024xf32, #tpu.memory_space<vmem>>, vector<1x1024xf32>
      tpu.vector_store %arg8[%swap3A, %swap3A_63], %broadcast_in_dim3A {strides = array<i32>} : memref<1x1024xf32, #tpu.memory_space<vmem>>, vector<1x1024xf32>,
      %swap3A_65 = arith.constant 0 : index
      %swap3A_66 = arith.constant 0 : index
      %swap3A_67 = vector.load %arg9[%swap3A_65, %swap3A_66] : memref<1x1024xf32, #tpu.memory_space<vmem>>, vector<1x1024xf32>
      tpu.vector_store %arg9[%swap3A_65, %swap3A_66], %broadcast_in_dim3A_25 {strides = array<i32>} : memref<1x1024xf32, #tpu.memory_space<vmem>>, vector<1x1024xf32>,
      %swap3A_68 = arith.constant 0 : index
      %swap3A_69 = arith.constant 0 : index
      %swap3A_70 = vector.load %arg10[%swap3A_68, %swap3A_69] : memref<1x1024xf32, #tpu.memory_space<vmem>>, vector<1x1024xf32>
      tpu.vector_store %arg10[%swap3A_68, %swap3A_69], %broadcast_in_dim3A_27 {strides = array<i32>} : memref<1x1024xf32, #tpu.memory_space<vmem>>, vector<1x1024xf32>,
      %swap3A_71 = arith.constant 0 : index
      %swap3A_72 = arith.constant 0 : index
      %swap3A_73 = vector.load %arg11[%swap3A_71, %swap3A_72] : memref<1x1024xf32, #tpu.memory_space<vmem>>, vector<1x1024xf32>
      tpu.vector_store %arg11[%swap3A_71, %swap3A_72], %add3A_40 {strides = array<i32>} : memref<1x1024xf32, #tpu.memory_space<vmem>>, vector<1x1024xf32>,
    } else {
    }
    %ne3A = arith.constant 0 : i32
    %ne3A_46 = arith.cmpi ne, %arg1, %ne3A : i32
    %convert_element_type3A_47 = arith.extui %ne3A_46 : i1 to i32
    %cond3A_48 = arith.constant 0 : i32
    %cond3A_49 = arith.cmpi ne, %convert_element_type3A_47, %cond3A_48 : i32
    scf.if %cond3A_49 {
      %get3A_63 = arith.constant 0 : index
      %get3A_64 = arith.constant 0 : index
      %get3A_65 = vector.load %arg8[%get3A_63, %get3A_64] : memref<1x1024xf32, #tpu.memory_space<vmem>>, vector<1x1024xf32>
      %add3A_66 = arith.addf %get3A_65, %broadcast_in_dim3A : vector<1x1024xf32>
      %swap3A = arith.constant 0 : index
      %swap3A_67 = arith.constant 0 : index
      %swap3A_68 = vector.load %arg8[%swap3A, %swap3A_67] : memref<1x1024xf32, #tpu.memory_space<vmem>>, vector<1x1024xf32>
      tpu.vector_store %arg8[%swap3A, %swap3A_67], %add3A_66 {strides = array<i32>} : memref<1x1024xf32, #tpu.memory_space<vmem>>, vector<1x1024xf32>,
      %get3A_69 = arith.constant 0 : index
      %get3A_70 = arith.constant 0 : index
      %get3A_71 = vector.load %arg9[%get3A_69, %get3A_70] : memref<1x1024xf32, #tpu.memory_space<vmem>>, vector<1x1024xf32>
      %add3A_72 = arith.addf %get3A_71, %broadcast_in_dim3A_25 : vector<1x1024xf32>
      %swap3A_73 = arith.constant 0 : index
      %swap3A_74 = arith.constant 0 : index
      %swap3A_75 = vector.load %arg9[%swap3A_73, %swap3A_74] : memref<1x1024xf32, #tpu.memory_space<vmem>>, vector<1x1024xf32>
      tpu.vector_store %arg9[%swap3A_73, %swap3A_74], %add3A_72 {strides = array<i32>} : memref<1x1024xf32, #tpu.memory_space<vmem>>, vector<1x1024xf32>,
      %get3A_76 = arith.constant 0 : index
      %get3A_77 = arith.constant 0 : index
      %get3A_78 = vector.load %arg10[%get3A_76, %get3A_77] : memref<1x1024xf32, #tpu.memory_space<vmem>>, vector<1x1024xf32>
      %gt3A = arith.cmpf ogt, %broadcast_in_dim3A_27, %get3A_78 : vector<1x1024xf32>
      %get3A_79 = arith.constant 0 : index
      %get3A_80 = arith.constant 0 : index
      %get3A_81 = vector.load %arg10[%get3A_79, %get3A_80] : memref<1x1024xf32, #tpu.memory_space<vmem>>, vector<1x1024xf32>
      %select_n3A_82 = arith.select %gt3A, %broadcast_in_dim3A_27, %get3A_81 : vector<1x1024xi1>, vector<1x1024xf32>
      %swap3A_83 = arith.constant 0 : index
      %swap3A_84 = arith.constant 0 : index
      %swap3A_85 = vector.load %arg10[%swap3A_83, %swap3A_84] : memref<1x1024xf32, #tpu.memory_space<vmem>>, vector<1x1024xf32>
      tpu.vector_store %arg10[%swap3A_83, %swap3A_84], %select_n3A_82 {strides = array<i32>} : memref<1x1024xf32, #tpu.memory_space<vmem>>, vector<1x1024xf32>,
      %get3A_86 = arith.constant 0 : index
      %get3A_87 = arith.constant 0 : index
      %get3A_88 = vector.load %arg11[%get3A_86, %get3A_87] : memref<1x1024xf32, #tpu.memory_space<vmem>>, vector<1x1024xf32>
      %select_n3A_89 = arith.select %gt3A, %add3A_40, %get3A_88 : vector<1x1024xi1>, vector<1x1024xf32>
      %swap3A_90 = arith.constant 0 : index
      %swap3A_91 = arith.constant 0 : index
      %swap3A_92 = vector.load %arg11[%swap3A_90, %swap3A_91] : memref<1x1024xf32, #tpu.memory_space<vmem>>, vector<1x1024xf32>
      tpu.vector_store %arg11[%swap3A_90, %swap3A_91], %select_n3A_89 {strides = array<i32>} : memref<1x1024xf32, #tpu.memory_space<vmem>>, vector<1x1024xf32>,
    } else {
    }
    %eq3A_50 = arith.constant 3 : i32
    %eq3A_51 = arith.cmpi eq, %arg1, %eq3A_50 : i32
    %convert_element_type3A_52 = arith.extui %eq3A_51 : i1 to i32
    %cond3A_53 = arith.constant 0 : i32
    %cond3A_54 = arith.cmpi ne, %convert_element_type3A_52, %cond3A_53 : i32
    scf.if %cond3A_54 {
      %get3A_63 = arith.constant 0 : index
      %get3A_64 = arith.constant 0 : index
      %get3A_65 = vector.load %arg11[%get3A_63, %get3A_64] : memref<1x1024xf32, #tpu.memory_space<vmem>>, vector<1x1024xf32>
      %convert_element_type3A_66 = arith.fptosi %get3A_65 : vector<1x1024xf32> to vector<1x1024xi32>
      %swap3A = arith.constant 0 : index
      %swap3A_67 = arith.constant 0 : index
      %swap3A_68 = arith.constant 0 : index
      %swap3A_69 = vector.load %arg6[%swap3A, %swap3A_67, %swap3A_68] : memref<1x1x1024xi32, #tpu.memory_space<vmem>>, vector<1x1x1024xi32>
      %swap3A_70 = vector.shape_cast %swap3A_69 : vector<1x1x1024xi32> to vector<1x1024xi32>
      %swap3A_71 = vector.shape_cast %convert_element_type3A_66 : vector<1x1024xi32> to vector<1x1x1024xi32>
      tpu.vector_store %arg6[%swap3A, %swap3A_67, %swap3A_68], %swap3A_71 {strides = array<i32>} : memref<1x1x1024xi32, #tpu.memory_space<vmem>>, vector<1x1x1024xi32>,
      %get3A_72 = arith.constant 0 : index
      %get3A_73 = arith.constant 0 : index
      %get3A_74 = vector.load %arg9[%get3A_72, %get3A_73] : memref<1x1024xf32, #tpu.memory_space<vmem>>, vector<1x1024xf32>
      %get3A_75 = arith.constant 0 : index
      %get3A_76 = arith.constant 0 : index
      %get3A_77 = vector.load %arg8[%get3A_75, %get3A_76] : memref<1x1024xf32, #tpu.memory_space<vmem>>, vector<1x1024xf32>
      %div3A = arith.divf %get3A_74, %get3A_77 : vector<1x1024xf32>
      %get3A_78 = arith.constant 0 : index
      %get3A_79 = arith.constant 0 : index
      %get3A_80 = vector.load %arg8[%get3A_78, %get3A_79] : memref<1x1024xf32, #tpu.memory_space<vmem>>, vector<1x1024xf32>
      %log3A = math.log %get3A_80 : vector<1x1024xf32>
      %sub3A = arith.subf %div3A, %log3A : vector<1x1024xf32>
      %add3A_81 = arith.constant 9.01091289 : f32
      %add3A_82 = vector.broadcast %add3A_81 : f32 to vector<1x1024xf32>
      %add3A_83 = arith.addf %sub3A, %add3A_82 : vector<1x1024xf32>
      %get3A_84 = arith.constant 0 : index
      %get3A_85 = arith.constant 0 : index
      %get3A_86 = vector.load %arg12[%get3A_84, %get3A_85] : memref<1x1xf32, #tpu.memory_space<vmem>>, vector<1x1xf32>
      %reduce_sum3A_87 = arith.constant dense<0.000000e+00> : vector<1xf32>
      %reduce_sum3A_88 = vector.multi_reduction <add>, %add3A_83, %reduce_sum3A_87 [1] : vector<1x1024xf32> to vector<1xf32>
      %broadcast_in_dim3A_89 = vector.shape_cast %reduce_sum3A_88 : vector<1xf32> to vector<1x1xf32>
      %add3A_90 = arith.addf %get3A_86, %broadcast_in_dim3A_89 : vector<1x1xf32>
      %swap3A_91 = arith.constant 0 : index
      %swap3A_92 = arith.constant 0 : index
      %swap3A_93 = vector.load %arg12[%swap3A_91, %swap3A_92] : memref<1x1xf32, #tpu.memory_space<vmem>>, vector<1x1xf32>
      tpu.vector_store %arg12[%swap3A_91, %swap3A_92], %add3A_90 {strides = array<i32>} : memref<1x1xf32, #tpu.memory_space<vmem>>, vector<1x1xf32>,
    } else {
    }
    %eq3A_55 = arith.constant 1 : i32
    %eq3A_56 = arith.cmpi eq, %arg0, %eq3A_55 : i32
    %eq3A_57 = arith.constant 3 : i32
    %eq3A_58 = arith.cmpi eq, %arg1, %eq3A_57 : i32
    %and3A_59 = arith.andi %eq3A_56, %eq3A_58 : i1
    %convert_element_type3A_60 = arith.extui %and3A_59 : i1 to i32
    %cond3A_61 = arith.constant 0 : i32
    %cond3A_62 = arith.cmpi ne, %convert_element_type3A_60, %cond3A_61 : i32
    scf.if %cond3A_62 {
      %get3A_63 = arith.constant 0 : index
      %get3A_64 = arith.constant 0 : index
      %get3A_65 = vector.load %arg12[%get3A_63, %get3A_64] : memref<1x1xf32, #tpu.memory_space<vmem>>, vector<1x1xf32>
      %mul3A_66 = arith.constant 4.88281247E-12 : f32
      %mul3A_67 = vector.broadcast %mul3A_66 : f32 to vector<1x1xf32>
      %mul3A_68 = arith.mulf %get3A_65, %mul3A_67 : vector<1x1xf32>
      %swap3A = arith.constant 0 : index
      %swap3A_69 = arith.constant 0 : index
      %swap3A_70 = vector.load %arg7[%swap3A, %swap3A_69] : memref<1x1xf32, #tpu.memory_space<vmem>>, vector<1x1xf32>
      tpu.vector_store %arg7[%swap3A, %swap3A_69], %mul3A_68 {strides = array<i32>} : memref<1x1xf32, #tpu.memory_space<vmem>>, vector<1x1xf32>,
    } else {
    }
    return
  }
  func.func @transform_0(%arg0: i32, %arg1: i32) -> (i32, i32, i32) {
    %c0_i32 = arith.constant 0 : i32
    %c0_i32_0 = arith.constant 0 : i32
    %c0_i32_1 = arith.constant 0 : i32
    return %arg0, %c0_i32, %c0_i32_0 : i32, i32, i32
  }
  func.func @transform_1(%arg0: i32, %arg1: i32) -> (i32, i32) {
    %c0_i32 = arith.constant 0 : i32
    %c0_i32_0 = arith.constant 0 : i32
    return %arg1, %c0_i32 : i32, i32
  }
  func.func @transform_2(%arg0: i32, %arg1: i32) -> (i32, i32) {
    %c0_i32 = arith.constant 0 : i32
    %c0_i32_0 = arith.constant 0 : i32
    return %arg1, %c0_i32 : i32, i32
  }
  func.func @transform_3(%arg0: i32, %arg1: i32) -> (i32, i32, i32) {
    %c0_i32 = arith.constant 0 : i32
    %c0_i32_0 = arith.constant 0 : i32
    return %arg0, %arg1, %c0_i32 : i32, i32, i32
  }
  func.func @transform_4(%arg0: i32, %arg1: i32) -> (i32, i32, i32) {
    %c0_i32 = arith.constant 0 : i32
    %c0_i32_0 = arith.constant 0 : i32
    %c0_i32_1 = arith.constant 0 : i32
    return %arg0, %c0_i32, %c0_i32_0 : i32, i32, i32
  }
  func.func @transform_5(%arg0: i32, %arg1: i32) -> (i32, i32) {
    %c0_i32 = arith.constant 0 : i32
    %c0_i32_0 = arith.constant 0 : i32
    %c0_i32_1 = arith.constant 0 : i32
    return %c0_i32, %c0_i32_0 : i32, i32
  }
}

</mosaic_0001>

<sc_bundles>
// kernel: kernel.4.cloned.1.call-start
scs
__scs_entry_jumppad:
0x0: {  	(pc) =	sbr.rel $0x88, $3  }
0x1: {  	(tag) =	ssettag $0x0;
	lr =	simm.s32 $0x1  }
0x2: {  	[smem:$0x3F9D] =	sst lr;
	_ =	strace $0xD0000000  }
0x3: {  	_ = 	snop  }
0x4: {  	_ = 	snop  }
0x5: {  	_ = 	snop  }
0x6: {  	_ = 	snop  }
0x7: {  	_ = 	snop  }
__scs_overlays_trampoline_lowered:
0x8: {  	[smem:$0x3FAC] =	sst s0  }
0x9: {  	[smem:$0x3FAD] =	sst s1  }
0xa: {  	[smem:$0x3FAE] =	sst s2  }
0xb: {  	[smem:$0x3FAF] =	sst s3  }
0xc: {  	[smem:$0x3FB0] =	sst s4  }
0xd: {  	[smem:$0x3FB1] =	sst s5  }
0xe: {  	[smem:$0x3FB2] =	sst s6  }
0xf: {  	[smem:$0x3FB3] =	sst s7  }
0x10: {  	[smem:$0x3FB4] =	sst s8  }
0x11: {  	[smem:$0x3FB5] =	sst s9;
	s0 =	simm.s32 @!p0 $0x0  }
0x12: {  	s1 =	sld [smem:$0x3F9B];
	s0 =	simm.s32 @p0 $0x1  }
0x13: {  	[smem:$0x3FB6] =	sst s0;
	s0 =	simm.s32 @!p1 $0x0  }
0x14: {  	s2 =	sld [smem:$0x3F9A];
	s0 =	simm.s32 @p1 $0x1  }
0x15: {  	[smem:$0x3FB7] =	sst s0;
	s0 =	simm.s32 @!p2 $0x0  }
0x16: {  	s3 =	sld [smem:$0x3FDB];
	s0 =	simm.s32 @p2 $0x1  }
0x17: {  	s4 =	simm.s32 $0x1BF5;
	[smem:$0x3FB9] =	sst s0  }
0x18: {  	s0 =	sld [smem:$0x3F9C];
	_ =	swait.ge [sflag:s4], $0x0  }
0x19: {  	s7 =	sld [smem:$0x3F9D]  }
0x1a: {  	s8 =	sadd.s32 $0xFFFFE003, lr  }
0x1b: {  	s9 =	sadd.s32 $0xFFFFFEF7, lr;
	s5 =	simm.s32 $0xFFFFFFFF;
	p2 =	slt.u32 s8, $0xFFFFF086  }
0x1c: {  	p1 =	slt.u32 s9, $0xF7A;
	s5 =	simm.s32 @!p2 $0x0  }
0x1d: {  	s5 =	simm.s32 @p1 $0x1;
	p0 =	seq.s32 s7, s2  }
0x1e: {  	s7 =	smul.u32 @!p0 $0xF7A, s2;
	p2 =	seq.s32 @!p0 s5, $0x0  }
0x1f: {  	s9 =	smul.u32 $0xF7A, s1;
	s8 =	simm.s32 @!p0 $0x1BF5;
	p2 =	por !p2, p0  }
0x20: {  	[sflag:s8] =	ssyncset.s32 @!p0 $0xFFFFF086;
	s6 =	sadd.s32 @!p0 s3, s7;
	s7 =	simm.s32 @!p0 $0x108  }
0x21: {  	s3 =	sadd.s32 s3, s9;
	s6 =	sadd.s32 @!p0 $0x88, s6;
	s7 =	simm.s32 @p2 $0x1082  }
0x22: {  	[simem:s7], [sflag:s8] =	dma.local @!p0 [hbm:s6], $0xF7A  }
0x23: {  	s9 =	sor.u32 $0xD0000000, s2;
	s6 =	simm.s32 $0x108;
	_ =	swait.ge @!p0 [sflag:s8], $0x0  }
0x24: {  	s3 =	sadd.s32 $0x88, s3;
	s6 =	simm.s32 @!p1 $0x1082;
	[sflag:s4] =	ssyncset.s32 $0xFFFFF086  }
0x25: {  	[simem:s6], [sflag:s4] =	dma.local [hbm:s3], $0xF7A  }
0x26: {  	[smem:$0x3F9D] =	sst s1;
	(tag) =	ssettag s2;
	_ =	strace s9  }
0x27: {  	s1 =	sld [smem:$0x3FAD]  }
0x28: {  	s2 =	sld [smem:$0x3FAE]  }
0x29: {  	s4 =	sld [smem:$0x3FB0]  }
0x2a: {  	p0 =	seq.s32 s5, $0x0;
	s5 =	sld [smem:$0x3FB1]  }
0x2b: {  	s6 =	sld [smem:$0x3FB2]  }
0x2c: {  	s7 =	sld [smem:$0x3FB3]  }
0x2d: {  	s3 =	simm.s32 $0x108;
	s8 =	sld [smem:$0x3FB4]  }
0x2e: {  	s3 =	simm.s32 @!p0 $0x1082;
	s9 =	sld [smem:$0x3FB5]  }
0x2f: {  	lr =	sadd.s32 s0, s3;
	s0 =	sld [smem:$0x3FAC]  }
0x30: {  	s3 =	sld [smem:$0x3FAF]  }
0x31: {  	[smem:$0x3FB8] =	sst s10  }
0x32: {  	s10 =	sld [smem:$0x3FB6];
	_ =	sdelay $0x3  }
0x33: {  	p0 =	seq.s32 s10, $0x1;
	s10 =	sld [smem:$0x3FB8];
	_ =	sdelay $0x3  }
0x34: {  	[smem:$0x3FB8] =	sst s10  }
0x35: {  	s10 =	sld [smem:$0x3FB7];
	_ =	sdelay $0x3  }
0x36: {  	p1 =	seq.s32 s10, $0x1;
	s10 =	sld [smem:$0x3FB8];
	_ =	sdelay $0x3  }
0x37: {  	[smem:$0x3FB8] =	sst s10  }
0x38: {  	s10 =	sld [smem:$0x3FB9]  }
0x39: {  	_ = 	snop;
	(pc) =	sbr.ind lr, $3  }
0x3a: {  	_ = 	snop  }
0x3b: {  	_ = 	snop  }
0x3c: {  	p2 =	seq.s32 s10, $0x1;
	s10 =	sld [smem:$0x3FB8]  }
0x3d: {  	_ =	shalt  }
0x3e: {  	_ =	shalt  }
0x3f: {  	_ =	shalt  }
0x40: {  	_ =	shalt  }
0x41: {  	_ =	shalt  }
0x42: {  	_ =	shalt  }
0x43: {  	_ =	shalt  }
0x44: {  	_ =	shalt  }
0x45: {  	_ =	shalt  }
0x46: {  	_ =	shalt  }
0x47: {  	_ =	shalt  }
0x48: {  	_ =	shalt  }
0x49: {  	_ =	shalt  }
0x4a: {  	_ =	shalt  }
0x4b: {  	_ =	shalt  }
0x4c: {  	_ =	shalt  }
0x4d: {  	_ =	shalt  }
0x4e: {  	_ =	shalt  }
0x4f: {  	_ =	shalt  }
0x50: {  	_ =	shalt  }
0x51: {  	_ =	shalt  }
0x52: {  	_ =	shalt  }
0x53: {  	_ =	shalt  }
0x54: {  	_ =	shalt  }
0x55: {  	_ =	shalt  }
0x56: {  	_ =	shalt  }
0x57: {  	_ =	shalt  }
0x58: {  	_ =	shalt  }
0x59: {  	_ =	shalt  }
0x5a: {  	_ =	shalt  }
0x5b: {  	_ =	shalt  }
0x5c: {  	_ =	shalt  }
0x5d: {  	_ =	shalt  }
0x5e: {  	_ =	shalt  }
0x5f: {  	_ =	shalt  }
0x60: {  	_ =	shalt  }
0x61: {  	_ =	shalt  }
0x62: {  	_ =	shalt  }
0x63: {  	_ =	shalt  }
0x64: {  	_ =	shalt  }
0x65: {  	_ =	shalt  }
0x66: {  	_ =	shalt  }
0x67: {  	_ =	shalt  }
0x68: {  	_ =	shalt  }
0x69: {  	_ =	shalt  }
0x6a: {  	_ =	shalt  }
0x6b: {  	_ =	shalt  }
0x6c: {  	_ =	shalt  }
0x6d: {  	_ =	shalt  }
0x6e: {  	_ =	shalt  }
0x6f: {  	_ =	shalt  }
0x70: {  	_ =	shalt  }
0x71: {  	_ =	shalt  }
0x72: {  	_ =	shalt  }
0x73: {  	_ =	shalt  }
0x74: {  	_ =	shalt  }
0x75: {  	_ =	shalt  }
0x76: {  	_ =	shalt  }
0x77: {  	_ =	shalt  }
0x78: {  	_ =	shalt  }
0x79: {  	_ =	shalt  }
0x7a: {  	_ =	shalt  }
0x7b: {  	_ =	shalt  }
0x7c: {  	_ =	shalt  }
0x7d: {  	_ =	shalt  }
0x7e: {  	_ =	shalt  }
0x7f: {  	_ =	shalt  }
0x80: {  	_ =	shalt  }
0x81: {  	_ =	shalt  }
0x82: {  	_ =	shalt  }
0x83: {  	_ =	shalt  }
0x84: {  	_ =	shalt  }
0x85: {  	_ =	shalt  }
0x86: {  	_ =	shalt  }
0x87: {  	_ =	shalt  }
.Lfunc_end0:
.L_simem_size_0:
called_computation_lowered:
.L_overlay_start_0:
0x88: {  	s2 =	sld [smem:$0x3FD9]  }
0x89: {  	s3 =	sld [smem:$0x3FFE];
	_ =	sdelay $0x1  }
0x8a: {  	s1 =	srdreg.scid  }
0x8b: {  	s0 =	sand.u32 $0x1, s1  }
0x8c: {  	s14 =	sshll.u32 s0, $0xA;
	s2 =	sadd.s32 s3, s2  }
0x8d: {  	s2 =	sadd.s32 s2, s14  }
0x8e: {  	[smem:$0x3FC4] =	sst s2  }
0x8f: {  	_ = 	snop  }
0x90: {  	s2 =	sld [smem:$0x3FD0];
	_ =	sdelay $0x2  }
0x91: {  	s4 =	simm.s32 $0xA;
	s5 =	simm.s32 $0x10;
	s15 =	sld [smem:$0x3FC6]  }
0x92: {  	[smem:s5], [sflag:s4] =	dma.local [hbm:s2], $0x1  }
0x93: {  	_ =	swait.eq [sflag:s4], $0x1  }
0x94: {  	[sflag:s4] =	ssyncset.done $0x0  }
0x95: {  	[sflag:s4] =	ssyncadd.s32 $0xFFFFFFFF  }
0x96: {  	s16 =	sld [smem:$0x10];
	(tm) =	ssettm $0x1  }
0x97: {  	s17 =	sld [smem:$0x3FFB];
	_ =	sdelay $0x3  }
0x98: {  	_ =	strace s17  }
0x99: {  	s4 =	sld [smem:$0x3FFC];
	_ =	sdelay $0x3  }
0x9a: {  	_ =	strace s4  }
0x9b: {  	s4 =	sld [smem:$0x3FFD];
	_ =	sdelay $0x3  }
0x9c: {  	_ =	strace s4  }
0x9d: {  	_ =	strace $0x8FFFFFFF  }
0x9e: {  	s18 =	sld [smem:$0x3FDB];
	_ =	sdelay $0x1  }
0x9f: {  	s19 =	simm.s32 $_scs_section_size  }
0xa0: {  	s6 =	simm.s32 $_size__tile_overlayer_lowered;
	s7 =	simm.s32 $_tile_overlayer_lowered  }
0xa1: {  	s22 =	simm.s32 $0x1BFF;
	s21 =	sshll.u32 s7, $0x1;
	s4 =	sadd.s32 s19, s18  }
0xa2: {  	s8 =	simm.s32 $0x0;
	s20 =	sshll.u32 s6, $0x1;
	s6 =	sadd.s32 s21, s4  }
0xa3: {  	[timem:s8], [sflag:s22] =	dma.local [hbm:s6], s20  }
0xa4: {  	_ =	swait.ge [sflag:s22], s20  }
0xa5: {  	s5 =	ssub.s32 $0x0, s20;
	[sflag:s22] =	ssyncset.done $0x0  }
0xa6: {  	[sflag:s22] =	ssyncadd.s32 s5;
	_ =	sdelay $0x1  }
0xa7: {  	s23 =	simm.s32 $0x1B8B  }
0xa8: {  	_ =	swait.ge [sflag:s23], $0x1  }
0xa9: {  	[sflag:s23] =	ssyncset.done $0x0  }
0xaa: {  	s25 =	simm.s32 $0x1B8E;
	s24 =	sld [smem:$0x3FFE];
	[sflag:s23] =	ssyncadd.s32 $0xFFFFFFFF  }
0xab: {  	s26 =	simm.s32 $execute0_lowered;
	[smem:$0x3FD2] =	sst s25  }
0xac: {  	s6 =	sshll.u32 s26, $0x1;
	_ =	strace $0x80000046;
	[dreg:$0x1] =	wrdreg $0xFFFFFFFF  }
0xad: {  	s28 =	simm.s32 $_size_execute0_lowered;
	s4 =	sadd.s32 s4, s6;
	[dreg:$0x0] =	wrdreg $0x0  }
0xae: {  	s6 =	sshll.u32 s28, $0x1;
	[dreg:$0x2] =	wrdreg s4  }
0xaf: {  	[dreg:$0x3] =	wrdreg s6  }
0xb0: {  	[dreg:$0x4] =	wrdreg $0xC0  }
0xb1: {  	_ =	task [dreg:s8], $0x5FFFF  }
0xb2: {  	[dreg:$0x1] =	wrdreg $0xFFFFFFFF  }
0xb3: {  	[dreg:$0x0] =	wrdreg $0x60  }
0xb4: {  	[dreg:$0x2] =	wrdreg s15  }
0xb5: {  	[dreg:$0x3] =	wrdreg s24  }
0xb6: {  	[dreg:$0x4] =	wrdreg s16  }
0xb7: {  	[dreg:$0x5] =	wrdreg $0x9  }
0xb8: {  	_ =	task.clear_ibuf [dreg:s8], $0x6FFFF;
	_ =	strace $0x90000046  }
0xb9: {  	s29 =	simm.s32 $0x9;
	_ =	strace $0x80000048  }
0xba: {  	_ =	swait.ge [sflag:s29], $0x1  }
0xbb: {  	[sflag:s29] =	ssyncadd.s32 $0xFFFFFFFF  }
0xbc: {  	_ =	strace $0x90000048  }
0xbd: {  	_ =	sfence  }
0xbe: {  	s30 =	sld [smem:$0x0];
	_ =	sdelay $0x2  }
0xbf: {  	s31 =	sshll.u32 s1, $0xD;
	s1 =	sshrl.u32 s1, $0x2  }
0xc0: {  	s3 =	sand.u32 $0x4000, s31;
	s1 =	sadd.s32 s1, s30  }
0xc1: {  	s0 =	sor.u32 s3, s0;
	s1 =	sshll.u32 s1, $0x11  }
0xc2: {  	s0 =	sor.u32 s1, s0  }
0xc3: {  	s0 =	sadd.s32 $0x8F2B, s0  }
0xc4: {  	[sflag:s0] =	ssyncadd.remote.s32 $0x1  }
0xc5: {  	_ =	sfence.sel $0xFFFF  }
0xc6: {  	[dreg:$0x0] =	wrdreg $0xFFFFFFFF;
	(pc) =	sbr.abs _section_cstart, $3  }
0xc7: {  	[dreg:$0x1] =	wrdreg $0xFFFFFFFF  }
0xc8: {  	_ =	task.clear_ibuf [dreg:s8], $0x2FFFF;
	_ =	strace $0x9FFFFFFF  }
0xc9: {  	(tm) =	ssettm $0x7FFFFFFF  }
tec
execute0_lowered:
.L_overlay_start_1:
0x0: {  	(tag) =	ssettag $0x1  }
0x1: {  	s1 =	rddreg [dreg:$0x0]  }
0x2: {  	s2 =	srdreg.scid;
	s4 =	rddreg [dreg:$0x1]  }
0x3: {  	s0 =	stileid.u32;
	s6 =	rddreg [dreg:$0x2]  }
0x4: {  	s3 =	simm.s32 $0x0;
	s9 =	simm.s32 $0x880;
	s10 =	simm.s32 $0x1080  }
0x5: {  	s11 =	simm.s32 $0x1880;
	s12 =	simm.s32 $0x2080;
	s13 =	simm.s32 $0x2880  }
0x6: {  	s14 =	simm.s32 $0x3080;
	s15 =	simm.s32 $0x3880;
	s16 =	simm.s32 $0x1  }
0x7: {  	s5 =	sand.u32 $0x1, s2;
	s7 =	sshll.u32 s0, $0x7;
	s2 =	rddreg [dreg:$0x3]  }
0x8: {  	[smem:$0x7FF] =	sst s3;
	s8 =	sshll.u32 s5, $0x6;
	s5 =	ssub.s32 $0x2, s5  }
0x9: {  	_ =	strace $0x80000047;
	s7 =	sor.u32 s8, s7;
	s30 =	sshrl.u32 s5, $0x1  }
0xa: {  	v2 =	vlaneseq.u32;
	s8 =	sshrl.u32 s7, $0x3;
	s31 =	sshll.u32 s7, $0x5;
	s7 =	simm.s32 $0x2  }
0xb: {  	vm0 =	vmmov $0xffff;
	v1 =	vshrl.u32 v2, $0x3;
	s4 =	sadd.s32 s8, s4;
	s8 =	ssub.s32 s5, s30;
	s5 =	sadd.s32 s6, s31  }
0xc: {  	v0 =	vand.u32 $0x7, v2;
	v2 =	vor.u32 $0x8, v2;
	v1 =	vmul.u32 $0x8, v1;
	s4 =	sadd.s32 $0xA00, s4;
	s6 =	smax.u32 s8, $0x1;
	s8 =	simm.s32 $0x80  }
.LBB2_1:
0xd: {  	[tilespmem:s3], [sflag:$0x2] =	stream.linear.gather [hbm4b:s4+s3], $0x40, $0x38;
	[tilespmem:$0x4080] =	vst v63  }
0xe: {  	_ =	swait.ge [sflag:s7], $0x40  }
0xf: {  	[sflag:s7] =	ssyncset.done $0x0  }
0x10: {  	[sflag:s7] =	ssyncadd.s32 $0xFFFFFFC0  }
0x11: {  	v3 =	vld [tilespmem:$0x0];
	_ =	sdelay $0x4  }
0x12: {  	v4 =	vshll.u32 v3, $0x1  }
0x13: {  	v3 =	vand.u32 $0x7, v3;
	v4 =	vand.u32 $0xFFFFFFF0, v4  }
0x14: {  	v3 =	vor.u32 v3, v4  }
0x15: {  	v4 =	vperm.xlane v3, v0;
	_ =	sdelay $0x1  }
0x16: {  	v3 =	vperm.xlane v3, v2;
	v4 =	vadd.s32 v1, v4;
	_ =	sdelay $0x1  }
0x17: {  	v3 =	vadd.s32 v1, v3;
	_ =	sdelay $0x2  }
0x18: {  	[tilespmem:s8], [sflag:$0x1] =	stream.indirect_vreg.gather [hbm4b:s1+s3], $0x80, v4, vm0, $0xb8;
	[tilespmem:$0x4080] =	vst v63  }
0x19: {  	_ = 	snop  }
0x1a: {  	[tilespmem:s9], [sflag:$0x1] =	stream.indirect_vreg.gather [hbm4b:s1+s3], $0x80, v3, vm0, $0xb8;
	[tilespmem:$0x4080] =	vst v63  }
0x1b: {  	v3 =	vld [tilespmem:$0x10];
	_ =	sdelay $0x4  }
0x1c: {  	v61 =	vshll.u32 v3, $0x1  }
0x1d: {  	v3 =	vand.u32 $0x7, v3;
	v4 =	vand.u32 $0xFFFFFFF0, v61  }
0x1e: {  	v3 =	vor.u32 v3, v4  }
0x1f: {  	v4 =	vperm.xlane v3, v0;
	_ =	sdelay $0x1  }
0x20: {  	v3 =	vperm.xlane v3, v2;
	v4 =	vadd.s32 v1, v4;
	_ =	sdelay $0x1  }
0x21: {  	v3 =	vadd.s32 v1, v3;
	_ =	sdelay $0x2  }
0x22: {  	[tilespmem:s10], [sflag:$0x1] =	stream.indirect_vreg.gather [hbm4b:s1+s3], $0x80, v4, vm0, $0xb8;
	[tilespmem:$0x4080] =	vst v63  }
0x23: {  	_ = 	snop  }
0x24: {  	[tilespmem:s11], [sflag:$0x1] =	stream.indirect_vreg.gather [hbm4b:s1+s3], $0x80, v3, vm0, $0xb8;
	[tilespmem:$0x4080] =	vst v63  }
0x25: {  	v3 =	vld [tilespmem:$0x20];
	_ =	sdelay $0x4  }
0x26: {  	v62 =	vshll.u32 v3, $0x1  }
0x27: {  	v3 =	vand.u32 $0x7, v3;
	v4 =	vand.u32 $0xFFFFFFF0, v62  }
0x28: {  	v3 =	vor.u32 v3, v4  }
0x29: {  	v4 =	vperm.xlane v3, v0;
	_ =	sdelay $0x1  }
0x2a: {  	v3 =	vperm.xlane v3, v2;
	v4 =	vadd.s32 v1, v4;
	_ =	sdelay $0x1  }
0x2b: {  	v3 =	vadd.s32 v1, v3;
	_ =	sdelay $0x2  }
0x2c: {  	[tilespmem:s12], [sflag:$0x1] =	stream.indirect_vreg.gather [hbm4b:s1+s3], $0x80, v4, vm0, $0xb8;
	[tilespmem:$0x4080] =	vst v63  }
0x2d: {  	_ = 	snop  }
0x2e: {  	[tilespmem:s13], [sflag:$0x1] =	stream.indirect_vreg.gather [hbm4b:s1+s3], $0x80, v3, vm0, $0xb8;
	[tilespmem:$0x4080] =	vst v63  }
0x2f: {  	v3 =	vld [tilespmem:$0x30];
	_ =	sdelay $0x4  }
0x30: {  	v63 =	vshll.u32 v3, $0x1  }
0x31: {  	v3 =	vand.u32 $0x7, v3;
	v4 =	vand.u32 $0xFFFFFFF0, v63  }
0x32: {  	v3 =	vor.u32 v3, v4  }
0x33: {  	v4 =	vperm.xlane v3, v0;
	_ =	sdelay $0x1  }
0x34: {  	v3 =	vperm.xlane v3, v2;
	v4 =	vadd.s32 v1, v4;
	_ =	sdelay $0x1  }
0x35: {  	v3 =	vadd.s32 v1, v3;
	_ =	sdelay $0x2  }
0x36: {  	[tilespmem:s14], [sflag:$0x1] =	stream.indirect_vreg.gather [hbm4b:s1+s3], $0x80, v4, vm0, $0xb8;
	[tilespmem:$0x4080] =	vst v63  }
0x37: {  	_ = 	snop  }
0x38: {  	[tilespmem:s15], [sflag:$0x1] =	stream.indirect_vreg.gather [hbm4b:s1+s3], $0x80, v3, vm0, $0xb8;
	[tilespmem:$0x4080] =	vst v63  }
0x39: {  	_ =	swait.ge [sflag:s16], $0x4000  }
0x3a: {  	p0 =	sne.s32 s6, $0x1;
	[sflag:s16] =	ssyncset.done $0x0  }
.Ltmp0:
0x3b: {  	[sflag:s16] =	ssyncadd.s32 $0xFFFFC000;
	(pc) =	sbr.rel @p0 .LBB2_1-.Ltmp0, $4  }
0x3c: {  	[hbm4b:s5+s3] =	stream.linear.scatter [tilespmem:s8], [sflag:$0x2], $0x4000, $0x38;
	[tilespmem:$0x4080] =	vst v63  }
0x3d: {  	_ =	swait.ge [sflag:s7], $0x4000  }
0x3e: {  	[sflag:s7] =	ssyncset.done $0x0  }
0x3f: {  	s6 =	sadd.s32 $0xFFFFFFFF, s6;
	[sflag:s7] =	ssyncadd.s32 $0xFFFFC000  }
0x40: {  	_ =	sfence.sel $0x180000  }
0x41: {  	[bflag:$0x0] =	sbarrier.arrive $0xFFFF  }
0x42: {  	p0 =	sne.s32 s0, $0x0;
	_ =	strace $0x90000047  }
0x43: {  	s0 =	sadd.s32 @!p0 $0x100000, s2;
	[bflag:$0x2] =	sbarrier.arrive $0xFFFF  }
0x44: {  	[sflag:s0] =	ssyncadd.tile.s32 @!p0 $0x1;
	_ =	shalt  }
.Lfunc_end2:
_tile_overlayer_lowered:
.L_overlay_start_2:
0x45: {  	(tag) =	ssettag $0x2  }
0x46: {  	s0 =	rddreg [dreg:$0x0];
	s2 =	stileid.u32  }
0x47: {  	s1 =	rddreg [dreg:$0x1];
	p0 =	sne.s32 s2, $0x0  }
0x48: {  	s3 =	rddreg [dreg:$0x2];
	[bflag:$0x3] =	sbarrier.arrive $0xFFFF;
	s2 =	simm.s32 @!p0 $0x1C02  }
0x49: {  	[timem:s3], [sflag:s2] =	dma.local @!p0 [hbm:s0], s1  }
0x4a: {  	s0 =	simm.s32 @!p0 $0x2  }
0x4b: {  	_ =	swait.ge @!p0 [sflag:s0], s1  }
0x4c: {  	s1 =	ssub.s32 @!p0 $0x0, s1;
	[sflag:s0] =	ssyncset.done @!p0 $0x0  }
0x4d: {  	[sflag:s0] =	ssyncadd.s32 @!p0 s1  }
0x4e: {  	[bflag:$0x3] =	sbarrier.arrive $0xFFFF  }
0x4f: {  	_ =	shalt  }

</sc_bundles>
